<compile_context>
chip_gen: v7x
topology: tpu7x:2x2x1
jax: 0.10.2.dev20260603
libtpu: 0.0.44.dev20260713+nightly
codegen_flags: <defaults>
</compile_context>

<pallas_src>
import jax
import jax.numpy as jnp
from jax import lax
from jax.experimental import pallas as pl
from jax.experimental.pallas import tpu as pltpu
from jax.experimental.pallas import tpu_sc as plsc

_B = 4
_L = 2048
_LABEL_NUM = 4096
_LO = 0.1 / _LABEL_NUM
_HI = 0.9 + 0.1 / _LABEL_NUM

_NC = 2
_NS = 16
_NW = _NC * _NS

_ROWS = _B * _L
_RPW = _ROWS // _NW
_WPB = _L // _RPW
_K = 8
_CHUNKS = _RPW // _K


def _body(labels_hbm, out_hbm, idx_v, buf0_v, buf1_v, sem0, sem1, lsem):
    wid = lax.axis_index("s") * _NC + lax.axis_index("c")
    b = wid // _WPB
    l0 = (wid % _WPB) * _RPW

    lcp = pltpu.async_copy(
        labels_hbm.at[b].at[pl.ds(l0, _RPW)], idx_v.at[pl.ds(0, _RPW)], lsem
    )

    lo_vec = jnp.full((16,), _LO, jnp.float32)
    hi_vec = jnp.full((16,), _HI, jnp.float32)

    def fill_block(buf):
        def body(j, carry):
            r = j // (_LABEL_NUM // 256)
            coff = (j % (_LABEL_NUM // 256)) * 256
            for u in range(16):
                buf[r, pl.ds(coff + u * 16, 16)] = lo_vec
            return carry
        lax.fori_loop(0, _K * _LABEL_NUM // 256, body, 0)

    lanes = lax.iota(jnp.int32, 16)
    rows8 = lanes & (_K - 1)
    mask8 = lanes < _K

    bufs = (buf0_v, buf1_v)
    sems = (sem0, sem1)

    def chunk_cols(c):
        return idx_v[pl.ds(c * _K, 16)]

    def start(c, p):
        cols = chunk_cols(c)
        plsc.store_scatter(bufs[p], [rows8, cols], hi_vec, mask=mask8)
        return pltpu.async_copy(
            bufs[p], out_hbm.at[b].at[pl.ds(l0 + c * _K, _K)], sems[p]
        )

    fill_block(buf0_v)
    lcp.wait()
    idx_v[pl.ds(_RPW, 16)] = jnp.zeros((16,), jnp.int32)
    cp0 = start(0, 0)
    fill_block(buf1_v)
    cp1 = start(1, 1)

    def loop(i, carry):
        for p in range(2):
            c = 2 * i + p
            pltpu.make_async_copy(
                bufs[p], out_hbm.at[b].at[pl.ds(l0 + (c - 2) * _K, _K)], sems[p]
            ).wait()
            old_cols = chunk_cols(c - 2)
            plsc.store_scatter(bufs[p], [rows8, old_cols], lo_vec, mask=mask8)
            cols = chunk_cols(c)
            plsc.store_scatter(bufs[p], [rows8, cols], hi_vec, mask=mask8)
            pltpu.async_copy(
                bufs[p], out_hbm.at[b].at[pl.ds(l0 + c * _K, _K)], sems[p]
            )
        return carry

    lax.fori_loop(1, _CHUNKS // 2, loop, 0)
    cp0.wait()
    cp1.wait()


@jax.jit
def kernel(Input):
    mesh = plsc.VectorSubcoreMesh(core_axis_name="c", subcore_axis_name="s")
    out = pl.kernel(
        _body,
        out_type=jax.ShapeDtypeStruct((_B, _L, _LABEL_NUM), jnp.float32),
        mesh=mesh,
        scratch_types=[
            pltpu.VMEM((_RPW + 16,), jnp.int32),
            pltpu.VMEM((_K, _LABEL_NUM), jnp.float32),
            pltpu.VMEM((_K, _LABEL_NUM), jnp.float32),
            pltpu.SemaphoreType.DMA,
            pltpu.SemaphoreType.DMA,
            pltpu.SemaphoreType.DMA,
        ],
        compiler_params=pltpu.CompilerParams(needs_layout_passes=False, use_tc_tiling_on_sc=False),
    )(Input)
    return out

# --- scband reference (transcript-rebuilt; emitter-appended) ---
"""Pipeline reference for scband-label-smooth-88699664597752 (READ-ONLY COPY).

The authoritative reference and input builder live on the scoring server;
editing this copy changes nothing except your own understanding.
"""

import jax, jax.numpy as jnp
import numpy as np

LabelNum = 4096
SmoothRate = 0.1


def setup_inputs(seed: int = 0) -> dict:
    key = jax.random.key(seed)
    Input = jax.random.randint(key, (4, 2048), 0, LabelNum, dtype=jnp.int32)
    return {"Input": Input}


def reference(Input):
    B, L = Input.shape
    # torch.ones(B, L, LabelNum) * (SmoothRate / LabelNum)
    Output = jnp.ones((B, L, LabelNum), dtype=jnp.float32) * (SmoothRate / LabelNum)
    # torch.scatter(Output, -1, Input[:, :, None], 0.9 + SmoothRate / LabelNum)
    b_idx = jnp.arange(B)[:, None]
    l_idx = jnp.arange(L)[None, :]
    Output = Output.at[b_idx, l_idx, Input].set(0.9 + SmoothRate / LabelNum)
    return Output

if __name__ == "__main__":
    import jax
    _d = setup_inputs()
    print(jax.jit(kernel)(*tuple(_d.values())))

</pallas_src>

<mosaic_0001>
#map = affine_map<(d0, d1) -> (0, 0)>
#map1 = affine_map<(d0, d1) -> (0, 0, 0)>
module attributes {stable_mosaic.version = 14 : i64} {
  func.func @_body(%arg0: i32, %arg1: i32, %arg2: memref<4x2048xi32, #tpu.memory_space<hbm>>, %arg3: memref<4x2048x4096xf32, #tpu.memory_space<hbm>>, %arg4: memref<272xi32, #tpu.memory_space<vmem>>, %arg5: memref<8x4096xf32, #tpu.memory_space<vmem>>, %arg6: memref<8x4096xf32, #tpu.memory_space<vmem>>, %arg7: memref<!tpu.dma_semaphore, #tpu.memory_space<semaphore_mem>>, %arg8: memref<!tpu.dma_semaphore, #tpu.memory_space<semaphore_mem>>, %arg9: memref<!tpu.dma_semaphore, #tpu.memory_space<semaphore_mem>>) attributes {dimension_semantics = [#tpu.dimension_semantics<core_parallel>, #tpu.dimension_semantics<subcore_parallel>], iteration_bounds = array<i64: 2, 16>, scalar_prefetch = 0 : i64, scratch_operands = 6 : i64, tpu.core_type = #tpu.core_type<sc_vector_subcore>, window_params = [{transform_indices = #map}, {transform_indices = #map1}]} {
    %mul3A = arith.constant 2 : i32
    %mul3A_0 = arith.muli %arg1, %mul3A : i32
    %add3A = arith.addi %mul3A_0, %arg0 : i32
    %jit3A = arith.constant 8 : i32
    %div3A = arith.divsi %add3A, %jit3A : i32
    %sign3A = arith.constant 0 : i32
    %sign3A_1 = arith.cmpi sgt, %add3A, %sign3A : i32
    %sign3A_2 = arith.extui %sign3A_1 : i1 to i32
    %sign3A_3 = arith.constant 0 : i32
    %sign3A_4 = arith.cmpi slt, %add3A, %sign3A_3 : i32
    %sign3A_5 = arith.extui %sign3A_4 : i1 to i32
    %sign3A_6 = arith.subi %sign3A_2, %sign3A_5 : i32
    %sign3A_7 = arith.constant 0 : i32
    %sign3A_8 = arith.cmpi sgt, %jit3A, %sign3A_7 : i32
    %sign3A_9 = arith.extui %sign3A_8 : i1 to i32
    %sign3A_10 = arith.constant 0 : i32
    %sign3A_11 = arith.cmpi slt, %jit3A, %sign3A_10 : i32
    %sign3A_12 = arith.extui %sign3A_11 : i1 to i32
    %sign3A_13 = arith.subi %sign3A_9, %sign3A_12 : i32
    %ne3A = arith.cmpi ne, %sign3A_6, %sign3A_13 : i32
    %rem3A = arith.remsi %add3A, %jit3A : i32
    %ne3A_14 = arith.constant 0 : i32
    %ne3A_15 = arith.cmpi ne, %rem3A, %ne3A_14 : i32
    %and3A = arith.andi %ne3A, %ne3A_15 : i1
    %sub3A = arith.constant 1 : i32
    %sub3A_16 = arith.subi %div3A, %sub3A : i32
    %select_n3A = arith.select %and3A, %sub3A_16, %div3A : i32
    %jit3A_17 = arith.constant 8 : i32
    %eq3A = arith.constant 0 : i32
    %eq3A_18 = arith.cmpi eq, %jit3A_17, %eq3A : i32
    %jit3A_19 = arith.constant 1 : i32
    %select_n3A_20 = arith.select %eq3A_18, %jit3A_19, %jit3A_17 : i32
    %rem3A_21 = arith.remsi %add3A, %select_n3A_20 : i32
    %ne3A_22 = arith.constant 0 : i32
    %ne3A_23 = arith.cmpi ne, %rem3A_21, %ne3A_22 : i32
    %lt3A = arith.constant 0 : i32
    %lt3A_24 = arith.cmpi slt, %rem3A_21, %lt3A : i32
    %lt3A_25 = arith.constant 0 : i32
    %lt3A_26 = arith.cmpi slt, %select_n3A_20, %lt3A_25 : i32
    %ne3A_27 = arith.xori %lt3A_24, %lt3A_26 : i1
    %and3A_28 = arith.andi %ne3A_27, %ne3A_23 : i1
    %add3A_29 = arith.addi %rem3A_21, %select_n3A_20 : i32
    %select_n3A_30 = arith.select %and3A_28, %add3A_29, %rem3A_21 : i32
    %mul3A_31 = arith.constant 256 : i32
    %mul3A_32 = arith.muli %select_n3A_30, %mul3A_31 : i32
    %dma_start3A = arith.constant 0 : i32
    %dma_start3A_33 = tpu.memref_slice %arg4[%dma_start3A] : memref<272xi32, #tpu.memory_space<vmem>> -> memref<256xi32, #tpu.memory_space<vmem>>
    %dma_start3A_34 = arith.constant 0 : i32
    %dma_start3A_35 = tpu.memref_slice %arg2[%select_n3A, %dma_start3A_34] : memref<4x2048xi32, #tpu.memory_space<hbm>> -> memref<1x2048xi32, #tpu.memory_space<hbm>>
    %dma_start3A_36 = tpu.memref_squeeze %dma_start3A_35 : memref<1x2048xi32, #tpu.memory_space<hbm>> -> memref<2048xi32, #tpu.memory_space<hbm>>
    %dma_start3A_37 = tpu.memref_slice %dma_start3A_36[%mul3A_32] : memref<2048xi32, #tpu.memory_space<hbm>> -> memref<256xi32, #tpu.memory_space<hbm>>
    %dma_start3A_38 = arith.constant 0 : i32
    %dma_start3A_39 = tpu.memref_slice %arg4[%dma_start3A_38] : memref<272xi32, #tpu.memory_space<vmem>> -> memref<256xi32, #tpu.memory_space<vmem>>
    %dma_start3A_40 = arith.constant 0 : i32
    %dma_start3A_41 = tpu.memref_slice %arg2[%select_n3A, %dma_start3A_40] : memref<4x2048xi32, #tpu.memory_space<hbm>> -> memref<1x2048xi32, #tpu.memory_space<hbm>>
    %dma_start3A_42 = tpu.memref_squeeze %dma_start3A_41 : memref<1x2048xi32, #tpu.memory_space<hbm>> -> memref<2048xi32, #tpu.memory_space<hbm>>
    %dma_start3A_43 = tpu.memref_slice %dma_start3A_42[%mul3A_32] : memref<2048xi32, #tpu.memory_space<hbm>> -> memref<256xi32, #tpu.memory_space<hbm>>
    tpu.enqueue_dma source(%dma_start3A_43 : memref<256xi32, #tpu.memory_space<hbm>>) target(%dma_start3A_39 : memref<256xi32, #tpu.memory_space<vmem>>) target_semaphore(%arg9 : memref<!tpu.dma_semaphore, #tpu.memory_space<semaphore_mem>>)
    %broadcast_in_dim3A = arith.constant 2.44140629E-5 : f32
    %broadcast_in_dim3A_44 = vector.broadcast %broadcast_in_dim3A : f32 to vector<16xf32>
    %broadcast_in_dim3A_45 = arith.constant 0.900024414 : f32
    %broadcast_in_dim3A_46 = vector.broadcast %broadcast_in_dim3A_45 : f32 to vector<16xf32>
    %iota3A = tpu.iota {dimensions = array<i32: 0>} : vector<16xi32>
    %and3A_47 = arith.constant 7 : i32
    %and3A_48 = vector.broadcast %and3A_47 : i32 to vector<16xi32>
    %and3A_49 = arith.andi %iota3A, %and3A_48 : vector<16xi32>
    %lt3A_50 = arith.constant 8 : i32
    %lt3A_51 = vector.broadcast %lt3A_50 : i32 to vector<16xi32>
    %lt3A_52 = arith.cmpi slt, %iota3A, %lt3A_51 : vector<16xi32>
    %scan3A = arith.constant 0 : i32
    %scan3A_53 = arith.constant 0 : i32
    %scan3A_54 = arith.constant 128 : i32
    %scan3A_55 = arith.addi %scan3A_53, %scan3A_54 : i32
    %scan3A_56 = arith.constant 1 : i32
    scf.for %scan3A_139 = %scan3A_53 to %scan3A_55 step %scan3A_56  : i32 {
      %jit3A_140 = arith.constant 16 : i32
      %div3A_141 = arith.divsi %scan3A_139, %jit3A_140 : i32
      %sign3A_142 = arith.constant 0 : i32
      %sign3A_143 = arith.cmpi sgt, %scan3A_139, %sign3A_142 : i32
      %sign3A_144 = arith.extui %sign3A_143 : i1 to i32
      %sign3A_145 = arith.constant 0 : i32
      %sign3A_146 = arith.cmpi slt, %scan3A_139, %sign3A_145 : i32
      %sign3A_147 = arith.extui %sign3A_146 : i1 to i32
      %sign3A_148 = arith.subi %sign3A_144, %sign3A_147 : i32
      %sign3A_149 = arith.constant 0 : i32
      %sign3A_150 = arith.cmpi sgt, %jit3A_140, %sign3A_149 : i32
      %sign3A_151 = arith.extui %sign3A_150 : i1 to i32
      %sign3A_152 = arith.constant 0 : i32
      %sign3A_153 = arith.cmpi slt, %jit3A_140, %sign3A_152 : i32
      %sign3A_154 = arith.extui %sign3A_153 : i1 to i32
      %sign3A_155 = arith.subi %sign3A_151, %sign3A_154 : i32
      %ne3A_156 = arith.cmpi ne, %sign3A_148, %sign3A_155 : i32
      %rem3A_157 = arith.remsi %scan3A_139, %jit3A_140 : i32
      %ne3A_158 = arith.constant 0 : i32
      %ne3A_159 = arith.cmpi ne, %rem3A_157, %ne3A_158 : i32
      %and3A_160 = arith.andi %ne3A_156, %ne3A_159 : i1
      %sub3A_161 = arith.constant 1 : i32
      %sub3A_162 = arith.subi %div3A_141, %sub3A_161 : i32
      %select_n3A_163 = arith.select %and3A_160, %sub3A_162, %div3A_141 : i32
      %jit3A_164 = arith.constant 16 : i32
      %eq3A_165 = arith.constant 0 : i32
      %eq3A_166 = arith.cmpi eq, %jit3A_164, %eq3A_165 : i32
      %jit3A_167 = arith.constant 1 : i32
      %select_n3A_168 = arith.select %eq3A_166, %jit3A_167, %jit3A_164 : i32
      %rem3A_169 = arith.remsi %scan3A_139, %select_n3A_168 : i32
      %ne3A_170 = arith.constant 0 : i32
      %ne3A_171 = arith.cmpi ne, %rem3A_169, %ne3A_170 : i32
      %lt3A_172 = arith.constant 0 : i32
      %lt3A_173 = arith.cmpi slt, %rem3A_169, %lt3A_172 : i32
      %lt3A_174 = arith.constant 0 : i32
      %lt3A_175 = arith.cmpi slt, %select_n3A_168, %lt3A_174 : i32
      %ne3A_176 = arith.xori %lt3A_173, %lt3A_175 : i1
      %and3A_177 = arith.andi %ne3A_176, %ne3A_171 : i1
      %add3A_178 = arith.addi %rem3A_169, %select_n3A_168 : i32
      %select_n3A_179 = arith.select %and3A_177, %add3A_178, %rem3A_169 : i32
      %mul3A_180 = arith.constant 256 : i32
      %mul3A_181 = arith.muli %select_n3A_179, %mul3A_180 : i32
      %add3A_182 = arith.constant 0 : i32
      %add3A_183 = arith.addi %mul3A_181, %add3A_182 : i32
      %swap3A_184 = arith.index_cast %select_n3A_163 : i32 to index
      %swap3A_185 = arith.index_cast %add3A_183 : i32 to index
      %swap3A_186 = tpu.vector_load %arg5[%swap3A_184, %swap3A_185] {strides = array<i32>} : memref<8x4096xf32, #tpu.memory_space<vmem>>, vector<16xf32>,
      tpu.vector_store %arg5[%swap3A_184, %swap3A_185], %broadcast_in_dim3A_44 {strides = array<i32>} : memref<8x4096xf32, #tpu.memory_space<vmem>>, vector<16xf32>,
      %add3A_187 = arith.constant 16 : i32
      %add3A_188 = arith.addi %mul3A_181, %add3A_187 : i32
      %swap3A_189 = arith.index_cast %select_n3A_163 : i32 to index
      %swap3A_190 = arith.index_cast %add3A_188 : i32 to index
      %swap3A_191 = tpu.vector_load %arg5[%swap3A_189, %swap3A_190] {strides = array<i32>} : memref<8x4096xf32, #tpu.memory_space<vmem>>, vector<16xf32>,
      tpu.vector_store %arg5[%swap3A_189, %swap3A_190], %broadcast_in_dim3A_44 {strides = array<i32>} : memref<8x4096xf32, #tpu.memory_space<vmem>>, vector<16xf32>,
      %add3A_192 = arith.constant 32 : i32
      %add3A_193 = arith.addi %mul3A_181, %add3A_192 : i32
      %swap3A_194 = arith.index_cast %select_n3A_163 : i32 to index
      %swap3A_195 = arith.index_cast %add3A_193 : i32 to index
      %swap3A_196 = tpu.vector_load %arg5[%swap3A_194, %swap3A_195] {strides = array<i32>} : memref<8x4096xf32, #tpu.memory_space<vmem>>, vector<16xf32>,
      tpu.vector_store %arg5[%swap3A_194, %swap3A_195], %broadcast_in_dim3A_44 {strides = array<i32>} : memref<8x4096xf32, #tpu.memory_space<vmem>>, vector<16xf32>,
      %add3A_197 = arith.constant 48 : i32
      %add3A_198 = arith.addi %mul3A_181, %add3A_197 : i32
      %swap3A_199 = arith.index_cast %select_n3A_163 : i32 to index
      %swap3A_200 = arith.index_cast %add3A_198 : i32 to index
      %swap3A_201 = tpu.vector_load %arg5[%swap3A_199, %swap3A_200] {strides = array<i32>} : memref<8x4096xf32, #tpu.memory_space<vmem>>, vector<16xf32>,
      tpu.vector_store %arg5[%swap3A_199, %swap3A_200], %broadcast_in_dim3A_44 {strides = array<i32>} : memref<8x4096xf32, #tpu.memory_space<vmem>>, vector<16xf32>,
      %add3A_202 = arith.constant 64 : i32
      %add3A_203 = arith.addi %mul3A_181, %add3A_202 : i32
      %swap3A_204 = arith.index_cast %select_n3A_163 : i32 to index
      %swap3A_205 = arith.index_cast %add3A_203 : i32 to index
      %swap3A_206 = tpu.vector_load %arg5[%swap3A_204, %swap3A_205] {strides = array<i32>} : memref<8x4096xf32, #tpu.memory_space<vmem>>, vector<16xf32>,
      tpu.vector_store %arg5[%swap3A_204, %swap3A_205], %broadcast_in_dim3A_44 {strides = array<i32>} : memref<8x4096xf32, #tpu.memory_space<vmem>>, vector<16xf32>,
      %add3A_207 = arith.constant 80 : i32
      %add3A_208 = arith.addi %mul3A_181, %add3A_207 : i32
      %swap3A_209 = arith.index_cast %select_n3A_163 : i32 to index
      %swap3A_210 = arith.index_cast %add3A_208 : i32 to index
      %swap3A_211 = tpu.vector_load %arg5[%swap3A_209, %swap3A_210] {strides = array<i32>} : memref<8x4096xf32, #tpu.memory_space<vmem>>, vector<16xf32>,
      tpu.vector_store %arg5[%swap3A_209, %swap3A_210], %broadcast_in_dim3A_44 {strides = array<i32>} : memref<8x4096xf32, #tpu.memory_space<vmem>>, vector<16xf32>,
      %add3A_212 = arith.constant 96 : i32
      %add3A_213 = arith.addi %mul3A_181, %add3A_212 : i32
      %swap3A_214 = arith.index_cast %select_n3A_163 : i32 to index
      %swap3A_215 = arith.index_cast %add3A_213 : i32 to index
      %swap3A_216 = tpu.vector_load %arg5[%swap3A_214, %swap3A_215] {strides = array<i32>} : memref<8x4096xf32, #tpu.memory_space<vmem>>, vector<16xf32>,
      tpu.vector_store %arg5[%swap3A_214, %swap3A_215], %broadcast_in_dim3A_44 {strides = array<i32>} : memref<8x4096xf32, #tpu.memory_space<vmem>>, vector<16xf32>,
      %add3A_217 = arith.constant 112 : i32
      %add3A_218 = arith.addi %mul3A_181, %add3A_217 : i32
      %swap3A_219 = arith.index_cast %select_n3A_163 : i32 to index
      %swap3A_220 = arith.index_cast %add3A_218 : i32 to index
      %swap3A_221 = tpu.vector_load %arg5[%swap3A_219, %swap3A_220] {strides = array<i32>} : memref<8x4096xf32, #tpu.memory_space<vmem>>, vector<16xf32>,
      tpu.vector_store %arg5[%swap3A_219, %swap3A_220], %broadcast_in_dim3A_44 {strides = array<i32>} : memref<8x4096xf32, #tpu.memory_space<vmem>>, vector<16xf32>,
      %add3A_222 = arith.constant 128 : i32
      %add3A_223 = arith.addi %mul3A_181, %add3A_222 : i32
      %swap3A_224 = arith.index_cast %select_n3A_163 : i32 to index
      %swap3A_225 = arith.index_cast %add3A_223 : i32 to index
      %swap3A_226 = tpu.vector_load %arg5[%swap3A_224, %swap3A_225] {strides = array<i32>} : memref<8x4096xf32, #tpu.memory_space<vmem>>, vector<16xf32>,
      tpu.vector_store %arg5[%swap3A_224, %swap3A_225], %broadcast_in_dim3A_44 {strides = array<i32>} : memref<8x4096xf32, #tpu.memory_space<vmem>>, vector<16xf32>,
      %add3A_227 = arith.constant 144 : i32
      %add3A_228 = arith.addi %mul3A_181, %add3A_227 : i32
      %swap3A_229 = arith.index_cast %select_n3A_163 : i32 to index
      %swap3A_230 = arith.index_cast %add3A_228 : i32 to index
      %swap3A_231 = tpu.vector_load %arg5[%swap3A_229, %swap3A_230] {strides = array<i32>} : memref<8x4096xf32, #tpu.memory_space<vmem>>, vector<16xf32>,
      tpu.vector_store %arg5[%swap3A_229, %swap3A_230], %broadcast_in_dim3A_44 {strides = array<i32>} : memref<8x4096xf32, #tpu.memory_space<vmem>>, vector<16xf32>,
      %add3A_232 = arith.constant 160 : i32
      %add3A_233 = arith.addi %mul3A_181, %add3A_232 : i32
      %swap3A_234 = arith.index_cast %select_n3A_163 : i32 to index
      %swap3A_235 = arith.index_cast %add3A_233 : i32 to index
      %swap3A_236 = tpu.vector_load %arg5[%swap3A_234, %swap3A_235] {strides = array<i32>} : memref<8x4096xf32, #tpu.memory_space<vmem>>, vector<16xf32>,
      tpu.vector_store %arg5[%swap3A_234, %swap3A_235], %broadcast_in_dim3A_44 {strides = array<i32>} : memref<8x4096xf32, #tpu.memory_space<vmem>>, vector<16xf32>,
      %add3A_237 = arith.constant 176 : i32
      %add3A_238 = arith.addi %mul3A_181, %add3A_237 : i32
      %swap3A_239 = arith.index_cast %select_n3A_163 : i32 to index
      %swap3A_240 = arith.index_cast %add3A_238 : i32 to index
      %swap3A_241 = tpu.vector_load %arg5[%swap3A_239, %swap3A_240] {strides = array<i32>} : memref<8x4096xf32, #tpu.memory_space<vmem>>, vector<16xf32>,
      tpu.vector_store %arg5[%swap3A_239, %swap3A_240], %broadcast_in_dim3A_44 {strides = array<i32>} : memref<8x4096xf32, #tpu.memory_space<vmem>>, vector<16xf32>,
      %add3A_242 = arith.constant 192 : i32
      %add3A_243 = arith.addi %mul3A_181, %add3A_242 : i32
      %swap3A_244 = arith.index_cast %select_n3A_163 : i32 to index
      %swap3A_245 = arith.index_cast %add3A_243 : i32 to index
      %swap3A_246 = tpu.vector_load %arg5[%swap3A_244, %swap3A_245] {strides = array<i32>} : memref<8x4096xf32, #tpu.memory_space<vmem>>, vector<16xf32>,
      tpu.vector_store %arg5[%swap3A_244, %swap3A_245], %broadcast_in_dim3A_44 {strides = array<i32>} : memref<8x4096xf32, #tpu.memory_space<vmem>>, vector<16xf32>,
      %add3A_247 = arith.constant 208 : i32
      %add3A_248 = arith.addi %mul3A_181, %add3A_247 : i32
      %swap3A_249 = arith.index_cast %select_n3A_163 : i32 to index
      %swap3A_250 = arith.index_cast %add3A_248 : i32 to index
      %swap3A_251 = tpu.vector_load %arg5[%swap3A_249, %swap3A_250] {strides = array<i32>} : memref<8x4096xf32, #tpu.memory_space<vmem>>, vector<16xf32>,
      tpu.vector_store %arg5[%swap3A_249, %swap3A_250], %broadcast_in_dim3A_44 {strides = array<i32>} : memref<8x4096xf32, #tpu.memory_space<vmem>>, vector<16xf32>,
      %add3A_252 = arith.constant 224 : i32
      %add3A_253 = arith.addi %mul3A_181, %add3A_252 : i32
      %swap3A_254 = arith.index_cast %select_n3A_163 : i32 to index
      %swap3A_255 = arith.index_cast %add3A_253 : i32 to index
      %swap3A_256 = tpu.vector_load %arg5[%swap3A_254, %swap3A_255] {strides = array<i32>} : memref<8x4096xf32, #tpu.memory_space<vmem>>, vector<16xf32>,
      tpu.vector_store %arg5[%swap3A_254, %swap3A_255], %broadcast_in_dim3A_44 {strides = array<i32>} : memref<8x4096xf32, #tpu.memory_space<vmem>>, vector<16xf32>,
      %add3A_257 = arith.constant 240 : i32
      %add3A_258 = arith.addi %mul3A_181, %add3A_257 : i32
      %swap3A_259 = arith.index_cast %select_n3A_163 : i32 to index
      %swap3A_260 = arith.index_cast %add3A_258 : i32 to index
      %swap3A_261 = tpu.vector_load %arg5[%swap3A_259, %swap3A_260] {strides = array<i32>} : memref<8x4096xf32, #tpu.memory_space<vmem>>, vector<16xf32>,
      tpu.vector_store %arg5[%swap3A_259, %swap3A_260], %broadcast_in_dim3A_44 {strides = array<i32>} : memref<8x4096xf32, #tpu.memory_space<vmem>>, vector<16xf32>,
    }
    %scan3A_57 = arith.constant 128 : i32
    %dma_wait3A = arith.constant 0 : i32
    %dma_wait3A_58 = tpu.memref_slice %arg4[%dma_wait3A] : memref<272xi32, #tpu.memory_space<vmem>> -> memref<256xi32, #tpu.memory_space<vmem>>
    %dma_wait3A_59 = arith.constant 0 : i32
    %dma_wait3A_60 = tpu.memref_slice %arg2[%select_n3A, %dma_wait3A_59] : memref<4x2048xi32, #tpu.memory_space<hbm>> -> memref<1x2048xi32, #tpu.memory_space<hbm>>
    %dma_wait3A_61 = tpu.memref_squeeze %dma_wait3A_60 : memref<1x2048xi32, #tpu.memory_space<hbm>> -> memref<2048xi32, #tpu.memory_space<hbm>>
    %dma_wait3A_62 = tpu.memref_slice %dma_wait3A_61[%mul3A_32] : memref<2048xi32, #tpu.memory_space<hbm>> -> memref<256xi32, #tpu.memory_space<hbm>>
    %dma_wait3A_63 = arith.constant 0 : i32
    %dma_wait3A_64 = tpu.memref_slice %arg4[%dma_wait3A_63] : memref<272xi32, #tpu.memory_space<vmem>> -> memref<256xi32, #tpu.memory_space<vmem>>
    %dma_wait3A_65 = arith.constant 0 : i32
    %dma_wait3A_66 = tpu.memref_slice %arg2[%select_n3A, %dma_wait3A_65] : memref<4x2048xi32, #tpu.memory_space<hbm>> -> memref<1x2048xi32, #tpu.memory_space<hbm>>
    %dma_wait3A_67 = tpu.memref_squeeze %dma_wait3A_66 : memref<1x2048xi32, #tpu.memory_space<hbm>> -> memref<2048xi32, #tpu.memory_space<hbm>>
    %dma_wait3A_68 = tpu.memref_slice %dma_wait3A_67[%mul3A_32] : memref<2048xi32, #tpu.memory_space<hbm>> -> memref<256xi32, #tpu.memory_space<hbm>>
    tpu.wait_dma2 semaphore(%arg9 : memref<!tpu.dma_semaphore, #tpu.memory_space<semaphore_mem>>) src(%dma_wait3A_68 : memref<256xi32, #tpu.memory_space<hbm>>) dst(%dma_wait3A_64 : memref<256xi32, #tpu.memory_space<vmem>>)
    %broadcast_in_dim3A_69 = arith.constant 0 : i32
    %broadcast_in_dim3A_70 = vector.broadcast %broadcast_in_dim3A_69 : i32 to vector<16xi32>
    %swap3A = arith.constant 256 : index
    %swap3A_71 = tpu.vector_load %arg4[%swap3A] {strides = array<i32>} : memref<272xi32, #tpu.memory_space<vmem>>, vector<16xi32>,
    tpu.vector_store %arg4[%swap3A], %broadcast_in_dim3A_70 {strides = array<i32>} : memref<272xi32, #tpu.memory_space<vmem>>, vector<16xi32>,
    %get3A = arith.constant 0 : index
    %get3A_72 = tpu.vector_load %arg4[%get3A] {strides = array<i32>} : memref<272xi32, #tpu.memory_space<vmem>>, vector<16xi32>,
    tpu.vector_store_idx %arg5[%and3A_49, %get3A_72], %broadcast_in_dim3A_46 masked %lt3A_52 : memref<8x4096xf32, #tpu.memory_space<vmem>>[vector<16xi32>, vector<16xi32>], vector<16xf32>, vector<16xi1>
    %add3A_73 = arith.constant 0 : i32
    %add3A_74 = arith.addi %mul3A_32, %add3A_73 : i32
    %dma_start3A_75 = arith.constant 0 : i32
    %dma_start3A_76 = arith.constant 0 : i32
    %dma_start3A_77 = tpu.memref_slice %arg3[%select_n3A, %dma_start3A_75, %dma_start3A_76] : memref<4x2048x4096xf32, #tpu.memory_space<hbm>> -> memref<1x2048x4096xf32, #tpu.memory_space<hbm>>
    %dma_start3A_78 = tpu.memref_squeeze %dma_start3A_77 : memref<1x2048x4096xf32, #tpu.memory_space<hbm>> -> memref<2048x4096xf32, #tpu.memory_space<hbm>>
    %dma_start3A_79 = arith.constant 0 : i32
    %dma_start3A_80 = tpu.memref_slice %dma_start3A_78[%add3A_74, %dma_start3A_79] : memref<2048x4096xf32, #tpu.memory_space<hbm>> -> memref<8x4096xf32, #tpu.memory_space<hbm>>
    %dma_start3A_81 = arith.constant 0 : i32
    %dma_start3A_82 = arith.constant 0 : i32
    %dma_start3A_83 = tpu.memref_slice %arg3[%select_n3A, %dma_start3A_81, %dma_start3A_82] : memref<4x2048x4096xf32, #tpu.memory_space<hbm>> -> memref<1x2048x4096xf32, #tpu.memory_space<hbm>>
    %dma_start3A_84 = tpu.memref_squeeze %dma_start3A_83 : memref<1x2048x4096xf32, #tpu.memory_space<hbm>> -> memref<2048x4096xf32, #tpu.memory_space<hbm>>
    %dma_start3A_85 = arith.constant 0 : i32
    %dma_start3A_86 = tpu.memref_slice %dma_start3A_84[%add3A_74, %dma_start3A_85] : memref<2048x4096xf32, #tpu.memory_space<hbm>> -> memref<8x4096xf32, #tpu.memory_space<hbm>>
    tpu.enqueue_dma source(%arg5 : memref<8x4096xf32, #tpu.memory_space<vmem>>) target(%dma_start3A_86 : memref<8x4096xf32, #tpu.memory_space<hbm>>) target_semaphore(%arg7 : memref<!tpu.dma_semaphore, #tpu.memory_space<semaphore_mem>>)
    %scan3A_87 = arith.constant 0 : i32
    %scan3A_88 = arith.constant 0 : i32
    %scan3A_89 = arith.constant 128 : i32
    %scan3A_90 = arith.addi %scan3A_88, %scan3A_89 : i32
    %scan3A_91 = arith.constant 1 : i32
    scf.for %scan3A_139 = %scan3A_88 to %scan3A_90 step %scan3A_91  : i32 {
      %jit3A_140 = arith.constant 16 : i32
      %div3A_141 = arith.divsi %scan3A_139, %jit3A_140 : i32
      %sign3A_142 = arith.constant 0 : i32
      %sign3A_143 = arith.cmpi sgt, %scan3A_139, %sign3A_142 : i32
      %sign3A_144 = arith.extui %sign3A_143 : i1 to i32
      %sign3A_145 = arith.constant 0 : i32
      %sign3A_146 = arith.cmpi slt, %scan3A_139, %sign3A_145 : i32
      %sign3A_147 = arith.extui %sign3A_146 : i1 to i32
      %sign3A_148 = arith.subi %sign3A_144, %sign3A_147 : i32
      %sign3A_149 = arith.constant 0 : i32
      %sign3A_150 = arith.cmpi sgt, %jit3A_140, %sign3A_149 : i32
      %sign3A_151 = arith.extui %sign3A_150 : i1 to i32
      %sign3A_152 = arith.constant 0 : i32
      %sign3A_153 = arith.cmpi slt, %jit3A_140, %sign3A_152 : i32
      %sign3A_154 = arith.extui %sign3A_153 : i1 to i32
      %sign3A_155 = arith.subi %sign3A_151, %sign3A_154 : i32
      %ne3A_156 = arith.cmpi ne, %sign3A_148, %sign3A_155 : i32
      %rem3A_157 = arith.remsi %scan3A_139, %jit3A_140 : i32
      %ne3A_158 = arith.constant 0 : i32
      %ne3A_159 = arith.cmpi ne, %rem3A_157, %ne3A_158 : i32
      %and3A_160 = arith.andi %ne3A_156, %ne3A_159 : i1
      %sub3A_161 = arith.constant 1 : i32
      %sub3A_162 = arith.subi %div3A_141, %sub3A_161 : i32
      %select_n3A_163 = arith.select %and3A_160, %sub3A_162, %div3A_141 : i32
      %jit3A_164 = arith.constant 16 : i32
      %eq3A_165 = arith.constant 0 : i32
      %eq3A_166 = arith.cmpi eq, %jit3A_164, %eq3A_165 : i32
      %jit3A_167 = arith.constant 1 : i32
      %select_n3A_168 = arith.select %eq3A_166, %jit3A_167, %jit3A_164 : i32
      %rem3A_169 = arith.remsi %scan3A_139, %select_n3A_168 : i32
      %ne3A_170 = arith.constant 0 : i32
      %ne3A_171 = arith.cmpi ne, %rem3A_169, %ne3A_170 : i32
      %lt3A_172 = arith.constant 0 : i32
      %lt3A_173 = arith.cmpi slt, %rem3A_169, %lt3A_172 : i32
      %lt3A_174 = arith.constant 0 : i32
      %lt3A_175 = arith.cmpi slt, %select_n3A_168, %lt3A_174 : i32
      %ne3A_176 = arith.xori %lt3A_173, %lt3A_175 : i1
      %and3A_177 = arith.andi %ne3A_176, %ne3A_171 : i1
      %add3A_178 = arith.addi %rem3A_169, %select_n3A_168 : i32
      %select_n3A_179 = arith.select %and3A_177, %add3A_178, %rem3A_169 : i32
      %mul3A_180 = arith.constant 256 : i32
      %mul3A_181 = arith.muli %select_n3A_179, %mul3A_180 : i32
      %add3A_182 = arith.constant 0 : i32
      %add3A_183 = arith.addi %mul3A_181, %add3A_182 : i32
      %swap3A_184 = arith.index_cast %select_n3A_163 : i32 to index
      %swap3A_185 = arith.index_cast %add3A_183 : i32 to index
      %swap3A_186 = tpu.vector_load %arg6[%swap3A_184, %swap3A_185] {strides = array<i32>} : memref<8x4096xf32, #tpu.memory_space<vmem>>, vector<16xf32>,
      tpu.vector_store %arg6[%swap3A_184, %swap3A_185], %broadcast_in_dim3A_44 {strides = array<i32>} : memref<8x4096xf32, #tpu.memory_space<vmem>>, vector<16xf32>,
      %add3A_187 = arith.constant 16 : i32
      %add3A_188 = arith.addi %mul3A_181, %add3A_187 : i32
      %swap3A_189 = arith.index_cast %select_n3A_163 : i32 to index
      %swap3A_190 = arith.index_cast %add3A_188 : i32 to index
      %swap3A_191 = tpu.vector_load %arg6[%swap3A_189, %swap3A_190] {strides = array<i32>} : memref<8x4096xf32, #tpu.memory_space<vmem>>, vector<16xf32>,
      tpu.vector_store %arg6[%swap3A_189, %swap3A_190], %broadcast_in_dim3A_44 {strides = array<i32>} : memref<8x4096xf32, #tpu.memory_space<vmem>>, vector<16xf32>,
      %add3A_192 = arith.constant 32 : i32
      %add3A_193 = arith.addi %mul3A_181, %add3A_192 : i32
      %swap3A_194 = arith.index_cast %select_n3A_163 : i32 to index
      %swap3A_195 = arith.index_cast %add3A_193 : i32 to index
      %swap3A_196 = tpu.vector_load %arg6[%swap3A_194, %swap3A_195] {strides = array<i32>} : memref<8x4096xf32, #tpu.memory_space<vmem>>, vector<16xf32>,
      tpu.vector_store %arg6[%swap3A_194, %swap3A_195], %broadcast_in_dim3A_44 {strides = array<i32>} : memref<8x4096xf32, #tpu.memory_space<vmem>>, vector<16xf32>,
      %add3A_197 = arith.constant 48 : i32
      %add3A_198 = arith.addi %mul3A_181, %add3A_197 : i32
      %swap3A_199 = arith.index_cast %select_n3A_163 : i32 to index
      %swap3A_200 = arith.index_cast %add3A_198 : i32 to index
      %swap3A_201 = tpu.vector_load %arg6[%swap3A_199, %swap3A_200] {strides = array<i32>} : memref<8x4096xf32, #tpu.memory_space<vmem>>, vector<16xf32>,
      tpu.vector_store %arg6[%swap3A_199, %swap3A_200], %broadcast_in_dim3A_44 {strides = array<i32>} : memref<8x4096xf32, #tpu.memory_space<vmem>>, vector<16xf32>,
      %add3A_202 = arith.constant 64 : i32
      %add3A_203 = arith.addi %mul3A_181, %add3A_202 : i32
      %swap3A_204 = arith.index_cast %select_n3A_163 : i32 to index
      %swap3A_205 = arith.index_cast %add3A_203 : i32 to index
      %swap3A_206 = tpu.vector_load %arg6[%swap3A_204, %swap3A_205] {strides = array<i32>} : memref<8x4096xf32, #tpu.memory_space<vmem>>, vector<16xf32>,
      tpu.vector_store %arg6[%swap3A_204, %swap3A_205], %broadcast_in_dim3A_44 {strides = array<i32>} : memref<8x4096xf32, #tpu.memory_space<vmem>>, vector<16xf32>,
      %add3A_207 = arith.constant 80 : i32
      %add3A_208 = arith.addi %mul3A_181, %add3A_207 : i32
      %swap3A_209 = arith.index_cast %select_n3A_163 : i32 to index
      %swap3A_210 = arith.index_cast %add3A_208 : i32 to index
      %swap3A_211 = tpu.vector_load %arg6[%swap3A_209, %swap3A_210] {strides = array<i32>} : memref<8x4096xf32, #tpu.memory_space<vmem>>, vector<16xf32>,
      tpu.vector_store %arg6[%swap3A_209, %swap3A_210], %broadcast_in_dim3A_44 {strides = array<i32>} : memref<8x4096xf32, #tpu.memory_space<vmem>>, vector<16xf32>,
      %add3A_212 = arith.constant 96 : i32
      %add3A_213 = arith.addi %mul3A_181, %add3A_212 : i32
      %swap3A_214 = arith.index_cast %select_n3A_163 : i32 to index
      %swap3A_215 = arith.index_cast %add3A_213 : i32 to index
      %swap3A_216 = tpu.vector_load %arg6[%swap3A_214, %swap3A_215] {strides = array<i32>} : memref<8x4096xf32, #tpu.memory_space<vmem>>, vector<16xf32>,
      tpu.vector_store %arg6[%swap3A_214, %swap3A_215], %broadcast_in_dim3A_44 {strides = array<i32>} : memref<8x4096xf32, #tpu.memory_space<vmem>>, vector<16xf32>,
      %add3A_217 = arith.constant 112 : i32
      %add3A_218 = arith.addi %mul3A_181, %add3A_217 : i32
      %swap3A_219 = arith.index_cast %select_n3A_163 : i32 to index
      %swap3A_220 = arith.index_cast %add3A_218 : i32 to index
      %swap3A_221 = tpu.vector_load %arg6[%swap3A_219, %swap3A_220] {strides = array<i32>} : memref<8x4096xf32, #tpu.memory_space<vmem>>, vector<16xf32>,
      tpu.vector_store %arg6[%swap3A_219, %swap3A_220], %broadcast_in_dim3A_44 {strides = array<i32>} : memref<8x4096xf32, #tpu.memory_space<vmem>>, vector<16xf32>,
      %add3A_222 = arith.constant 128 : i32
      %add3A_223 = arith.addi %mul3A_181, %add3A_222 : i32
      %swap3A_224 = arith.index_cast %select_n3A_163 : i32 to index
      %swap3A_225 = arith.index_cast %add3A_223 : i32 to index
      %swap3A_226 = tpu.vector_load %arg6[%swap3A_224, %swap3A_225] {strides = array<i32>} : memref<8x4096xf32, #tpu.memory_space<vmem>>, vector<16xf32>,
      tpu.vector_store %arg6[%swap3A_224, %swap3A_225], %broadcast_in_dim3A_44 {strides = array<i32>} : memref<8x4096xf32, #tpu.memory_space<vmem>>, vector<16xf32>,
      %add3A_227 = arith.constant 144 : i32
      %add3A_228 = arith.addi %mul3A_181, %add3A_227 : i32
      %swap3A_229 = arith.index_cast %select_n3A_163 : i32 to index
      %swap3A_230 = arith.index_cast %add3A_228 : i32 to index
      %swap3A_231 = tpu.vector_load %arg6[%swap3A_229, %swap3A_230] {strides = array<i32>} : memref<8x4096xf32, #tpu.memory_space<vmem>>, vector<16xf32>,
      tpu.vector_store %arg6[%swap3A_229, %swap3A_230], %broadcast_in_dim3A_44 {strides = array<i32>} : memref<8x4096xf32, #tpu.memory_space<vmem>>, vector<16xf32>,
      %add3A_232 = arith.constant 160 : i32
      %add3A_233 = arith.addi %mul3A_181, %add3A_232 : i32
      %swap3A_234 = arith.index_cast %select_n3A_163 : i32 to index
      %swap3A_235 = arith.index_cast %add3A_233 : i32 to index
      %swap3A_236 = tpu.vector_load %arg6[%swap3A_234, %swap3A_235] {strides = array<i32>} : memref<8x4096xf32, #tpu.memory_space<vmem>>, vector<16xf32>,
      tpu.vector_store %arg6[%swap3A_234, %swap3A_235], %broadcast_in_dim3A_44 {strides = array<i32>} : memref<8x4096xf32, #tpu.memory_space<vmem>>, vector<16xf32>,
      %add3A_237 = arith.constant 176 : i32
      %add3A_238 = arith.addi %mul3A_181, %add3A_237 : i32
      %swap3A_239 = arith.index_cast %select_n3A_163 : i32 to index
      %swap3A_240 = arith.index_cast %add3A_238 : i32 to index
      %swap3A_241 = tpu.vector_load %arg6[%swap3A_239, %swap3A_240] {strides = array<i32>} : memref<8x4096xf32, #tpu.memory_space<vmem>>, vector<16xf32>,
      tpu.vector_store %arg6[%swap3A_239, %swap3A_240], %broadcast_in_dim3A_44 {strides = array<i32>} : memref<8x4096xf32, #tpu.memory_space<vmem>>, vector<16xf32>,
      %add3A_242 = arith.constant 192 : i32
      %add3A_243 = arith.addi %mul3A_181, %add3A_242 : i32
      %swap3A_244 = arith.index_cast %select_n3A_163 : i32 to index
      %swap3A_245 = arith.index_cast %add3A_243 : i32 to index
      %swap3A_246 = tpu.vector_load %arg6[%swap3A_244, %swap3A_245] {strides = array<i32>} : memref<8x4096xf32, #tpu.memory_space<vmem>>, vector<16xf32>,
      tpu.vector_store %arg6[%swap3A_244, %swap3A_245], %broadcast_in_dim3A_44 {strides = array<i32>} : memref<8x4096xf32, #tpu.memory_space<vmem>>, vector<16xf32>,
      %add3A_247 = arith.constant 208 : i32
      %add3A_248 = arith.addi %mul3A_181, %add3A_247 : i32
      %swap3A_249 = arith.index_cast %select_n3A_163 : i32 to index
      %swap3A_250 = arith.index_cast %add3A_248 : i32 to index
      %swap3A_251 = tpu.vector_load %arg6[%swap3A_249, %swap3A_250] {strides = array<i32>} : memref<8x4096xf32, #tpu.memory_space<vmem>>, vector<16xf32>,
      tpu.vector_store %arg6[%swap3A_249, %swap3A_250], %broadcast_in_dim3A_44 {strides = array<i32>} : memref<8x4096xf32, #tpu.memory_space<vmem>>, vector<16xf32>,
      %add3A_252 = arith.constant 224 : i32
      %add3A_253 = arith.addi %mul3A_181, %add3A_252 : i32
      %swap3A_254 = arith.index_cast %select_n3A_163 : i32 to index
      %swap3A_255 = arith.index_cast %add3A_253 : i32 to index
      %swap3A_256 = tpu.vector_load %arg6[%swap3A_254, %swap3A_255] {strides = array<i32>} : memref<8x4096xf32, #tpu.memory_space<vmem>>, vector<16xf32>,
      tpu.vector_store %arg6[%swap3A_254, %swap3A_255], %broadcast_in_dim3A_44 {strides = array<i32>} : memref<8x4096xf32, #tpu.memory_space<vmem>>, vector<16xf32>,
      %add3A_257 = arith.constant 240 : i32
      %add3A_258 = arith.addi %mul3A_181, %add3A_257 : i32
      %swap3A_259 = arith.index_cast %select_n3A_163 : i32 to index
      %swap3A_260 = arith.index_cast %add3A_258 : i32 to index
      %swap3A_261 = tpu.vector_load %arg6[%swap3A_259, %swap3A_260] {strides = array<i32>} : memref<8x4096xf32, #tpu.memory_space<vmem>>, vector<16xf32>,
      tpu.vector_store %arg6[%swap3A_259, %swap3A_260], %broadcast_in_dim3A_44 {strides = array<i32>} : memref<8x4096xf32, #tpu.memory_space<vmem>>, vector<16xf32>,
    }
    %scan3A_92 = arith.constant 128 : i32
    %get3A_93 = arith.constant 8 : index
    %get3A_94 = tpu.vector_load %arg4[%get3A_93] {strides = array<i32>} : memref<272xi32, #tpu.memory_space<vmem>>, vector<16xi32>,
    tpu.vector_store_idx %arg6[%and3A_49, %get3A_94], %broadcast_in_dim3A_46 masked %lt3A_52 : memref<8x4096xf32, #tpu.memory_space<vmem>>[vector<16xi32>, vector<16xi32>], vector<16xf32>, vector<16xi1>
    %add3A_95 = arith.constant 8 : i32
    %add3A_96 = arith.addi %mul3A_32, %add3A_95 : i32
    %dma_start3A_97 = arith.constant 0 : i32
    %dma_start3A_98 = arith.constant 0 : i32
    %dma_start3A_99 = tpu.memref_slice %arg3[%select_n3A, %dma_start3A_97, %dma_start3A_98] : memref<4x2048x4096xf32, #tpu.memory_space<hbm>> -> memref<1x2048x4096xf32, #tpu.memory_space<hbm>>
    %dma_start3A_100 = tpu.memref_squeeze %dma_start3A_99 : memref<1x2048x4096xf32, #tpu.memory_space<hbm>> -> memref<2048x4096xf32, #tpu.memory_space<hbm>>
    %dma_start3A_101 = arith.constant 0 : i32
    %dma_start3A_102 = tpu.memref_slice %dma_start3A_100[%add3A_96, %dma_start3A_101] : memref<2048x4096xf32, #tpu.memory_space<hbm>> -> memref<8x4096xf32, #tpu.memory_space<hbm>>
    %dma_start3A_103 = arith.constant 0 : i32
    %dma_start3A_104 = arith.constant 0 : i32
    %dma_start3A_105 = tpu.memref_slice %arg3[%select_n3A, %dma_start3A_103, %dma_start3A_104] : memref<4x2048x4096xf32, #tpu.memory_space<hbm>> -> memref<1x2048x4096xf32, #tpu.memory_space<hbm>>
    %dma_start3A_106 = tpu.memref_squeeze %dma_start3A_105 : memref<1x2048x4096xf32, #tpu.memory_space<hbm>> -> memref<2048x4096xf32, #tpu.memory_space<hbm>>
    %dma_start3A_107 = arith.constant 0 : i32
    %dma_start3A_108 = tpu.memref_slice %dma_start3A_106[%add3A_96, %dma_start3A_107] : memref<2048x4096xf32, #tpu.memory_space<hbm>> -> memref<8x4096xf32, #tpu.memory_space<hbm>>
    tpu.enqueue_dma source(%arg6 : memref<8x4096xf32, #tpu.memory_space<vmem>>) target(%dma_start3A_108 : memref<8x4096xf32, #tpu.memory_space<hbm>>) target_semaphore(%arg8 : memref<!tpu.dma_semaphore, #tpu.memory_space<semaphore_mem>>)
    %scan3A_109 = arith.constant 0 : i32
    %scan3A_110 = arith.constant 1 : i32
    %scan3A_111 = arith.constant 15 : i32
    %scan3A_112 = arith.addi %scan3A_110, %scan3A_111 : i32
    %scan3A_113 = arith.constant 1 : i32
    scf.for %scan3A_139 = %scan3A_110 to %scan3A_112 step %scan3A_113  : i32 {
      %mul3A_140 = arith.constant 2 : i32
      %mul3A_141 = arith.muli %mul3A_140, %scan3A_139 : i32
      %add3A_142 = arith.constant 0 : i32
      %add3A_143 = arith.addi %mul3A_141, %add3A_142 : i32
      %sub3A_144 = arith.constant 2 : i32
      %sub3A_145 = arith.subi %add3A_143, %sub3A_144 : i32
      %mul3A_146 = arith.constant 8 : i32
      %mul3A_147 = arith.muli %sub3A_145, %mul3A_146 : i32
      %add3A_148 = arith.addi %mul3A_32, %mul3A_147 : i32
      %dma_wait3A_149 = arith.constant 0 : i32
      %dma_wait3A_150 = arith.constant 0 : i32
      %dma_wait3A_151 = tpu.memref_slice %arg3[%select_n3A, %dma_wait3A_149, %dma_wait3A_150] : memref<4x2048x4096xf32, #tpu.memory_space<hbm>> -> memref<1x2048x4096xf32, #tpu.memory_space<hbm>>
      %dma_wait3A_152 = tpu.memref_squeeze %dma_wait3A_151 : memref<1x2048x4096xf32, #tpu.memory_space<hbm>> -> memref<2048x4096xf32, #tpu.memory_space<hbm>>
      %dma_wait3A_153 = arith.constant 0 : i32
      %dma_wait3A_154 = tpu.memref_slice %dma_wait3A_152[%add3A_148, %dma_wait3A_153] : memref<2048x4096xf32, #tpu.memory_space<hbm>> -> memref<8x4096xf32, #tpu.memory_space<hbm>>
      %dma_wait3A_155 = arith.constant 0 : i32
      %dma_wait3A_156 = arith.constant 0 : i32
      %dma_wait3A_157 = tpu.memref_slice %arg3[%select_n3A, %dma_wait3A_155, %dma_wait3A_156] : memref<4x2048x4096xf32, #tpu.memory_space<hbm>> -> memref<1x2048x4096xf32, #tpu.memory_space<hbm>>
      %dma_wait3A_158 = tpu.memref_squeeze %dma_wait3A_157 : memref<1x2048x4096xf32, #tpu.memory_space<hbm>> -> memref<2048x4096xf32, #tpu.memory_space<hbm>>
      %dma_wait3A_159 = arith.constant 0 : i32
      %dma_wait3A_160 = tpu.memref_slice %dma_wait3A_158[%add3A_148, %dma_wait3A_159] : memref<2048x4096xf32, #tpu.memory_space<hbm>> -> memref<8x4096xf32, #tpu.memory_space<hbm>>
      tpu.wait_dma2 semaphore(%arg7 : memref<!tpu.dma_semaphore, #tpu.memory_space<semaphore_mem>>) src(%arg5 : memref<8x4096xf32, #tpu.memory_space<vmem>>) dst(%dma_wait3A_160 : memref<8x4096xf32, #tpu.memory_space<hbm>>)
      %sub3A_161 = arith.constant 2 : i32
      %sub3A_162 = arith.subi %add3A_143, %sub3A_161 : i32
      %mul3A_163 = arith.constant 8 : i32
      %mul3A_164 = arith.muli %sub3A_162, %mul3A_163 : i32
      %get3A_165 = arith.index_cast %mul3A_164 : i32 to index
      %get3A_166 = tpu.vector_load %arg4[%get3A_165] {strides = array<i32>} : memref<272xi32, #tpu.memory_space<vmem>>, vector<16xi32>,
      tpu.vector_store_idx %arg5[%and3A_49, %get3A_166], %broadcast_in_dim3A_44 masked %lt3A_52 : memref<8x4096xf32, #tpu.memory_space<vmem>>[vector<16xi32>, vector<16xi32>], vector<16xf32>, vector<16xi1>
      %mul3A_167 = arith.constant 8 : i32
      %mul3A_168 = arith.muli %add3A_143, %mul3A_167 : i32
      %get3A_169 = arith.index_cast %mul3A_168 : i32 to index
      %get3A_170 = tpu.vector_load %arg4[%get3A_169] {strides = array<i32>} : memref<272xi32, #tpu.memory_space<vmem>>, vector<16xi32>,
      tpu.vector_store_idx %arg5[%and3A_49, %get3A_170], %broadcast_in_dim3A_46 masked %lt3A_52 : memref<8x4096xf32, #tpu.memory_space<vmem>>[vector<16xi32>, vector<16xi32>], vector<16xf32>, vector<16xi1>
      %mul3A_171 = arith.constant 8 : i32
      %mul3A_172 = arith.muli %add3A_143, %mul3A_171 : i32
      %add3A_173 = arith.addi %mul3A_32, %mul3A_172 : i32
      %dma_start3A_174 = arith.constant 0 : i32
      %dma_start3A_175 = arith.constant 0 : i32
      %dma_start3A_176 = tpu.memref_slice %arg3[%select_n3A, %dma_start3A_174, %dma_start3A_175] : memref<4x2048x4096xf32, #tpu.memory_space<hbm>> -> memref<1x2048x4096xf32, #tpu.memory_space<hbm>>
      %dma_start3A_177 = tpu.memref_squeeze %dma_start3A_176 : memref<1x2048x4096xf32, #tpu.memory_space<hbm>> -> memref<2048x4096xf32, #tpu.memory_space<hbm>>
      %dma_start3A_178 = arith.constant 0 : i32
      %dma_start3A_179 = tpu.memref_slice %dma_start3A_177[%add3A_173, %dma_start3A_178] : memref<2048x4096xf32, #tpu.memory_space<hbm>> -> memref<8x4096xf32, #tpu.memory_space<hbm>>
      %dma_start3A_180 = arith.constant 0 : i32
      %dma_start3A_181 = arith.constant 0 : i32
      %dma_start3A_182 = tpu.memref_slice %arg3[%select_n3A, %dma_start3A_180, %dma_start3A_181] : memref<4x2048x4096xf32, #tpu.memory_space<hbm>> -> memref<1x2048x4096xf32, #tpu.memory_space<hbm>>
      %dma_start3A_183 = tpu.memref_squeeze %dma_start3A_182 : memref<1x2048x4096xf32, #tpu.memory_space<hbm>> -> memref<2048x4096xf32, #tpu.memory_space<hbm>>
      %dma_start3A_184 = arith.constant 0 : i32
      %dma_start3A_185 = tpu.memref_slice %dma_start3A_183[%add3A_173, %dma_start3A_184] : memref<2048x4096xf32, #tpu.memory_space<hbm>> -> memref<8x4096xf32, #tpu.memory_space<hbm>>
      tpu.enqueue_dma source(%arg5 : memref<8x4096xf32, #tpu.memory_space<vmem>>) target(%dma_start3A_185 : memref<8x4096xf32, #tpu.memory_space<hbm>>) target_semaphore(%arg7 : memref<!tpu.dma_semaphore, #tpu.memory_space<semaphore_mem>>)
      %mul3A_186 = arith.constant 2 : i32
      %mul3A_187 = arith.muli %mul3A_186, %scan3A_139 : i32
      %add3A_188 = arith.constant 1 : i32
      %add3A_189 = arith.addi %mul3A_187, %add3A_188 : i32
      %sub3A_190 = arith.constant 2 : i32
      %sub3A_191 = arith.subi %add3A_189, %sub3A_190 : i32
      %mul3A_192 = arith.constant 8 : i32
      %mul3A_193 = arith.muli %sub3A_191, %mul3A_192 : i32
      %add3A_194 = arith.addi %mul3A_32, %mul3A_193 : i32
      %dma_wait3A_195 = arith.constant 0 : i32
      %dma_wait3A_196 = arith.constant 0 : i32
      %dma_wait3A_197 = tpu.memref_slice %arg3[%select_n3A, %dma_wait3A_195, %dma_wait3A_196] : memref<4x2048x4096xf32, #tpu.memory_space<hbm>> -> memref<1x2048x4096xf32, #tpu.memory_space<hbm>>
      %dma_wait3A_198 = tpu.memref_squeeze %dma_wait3A_197 : memref<1x2048x4096xf32, #tpu.memory_space<hbm>> -> memref<2048x4096xf32, #tpu.memory_space<hbm>>
      %dma_wait3A_199 = arith.constant 0 : i32
      %dma_wait3A_200 = tpu.memref_slice %dma_wait3A_198[%add3A_194, %dma_wait3A_199] : memref<2048x4096xf32, #tpu.memory_space<hbm>> -> memref<8x4096xf32, #tpu.memory_space<hbm>>
      %dma_wait3A_201 = arith.constant 0 : i32
      %dma_wait3A_202 = arith.constant 0 : i32
      %dma_wait3A_203 = tpu.memref_slice %arg3[%select_n3A, %dma_wait3A_201, %dma_wait3A_202] : memref<4x2048x4096xf32, #tpu.memory_space<hbm>> -> memref<1x2048x4096xf32, #tpu.memory_space<hbm>>
      %dma_wait3A_204 = tpu.memref_squeeze %dma_wait3A_203 : memref<1x2048x4096xf32, #tpu.memory_space<hbm>> -> memref<2048x4096xf32, #tpu.memory_space<hbm>>
      %dma_wait3A_205 = arith.constant 0 : i32
      %dma_wait3A_206 = tpu.memref_slice %dma_wait3A_204[%add3A_194, %dma_wait3A_205] : memref<2048x4096xf32, #tpu.memory_space<hbm>> -> memref<8x4096xf32, #tpu.memory_space<hbm>>
      tpu.wait_dma2 semaphore(%arg8 : memref<!tpu.dma_semaphore, #tpu.memory_space<semaphore_mem>>) src(%arg6 : memref<8x4096xf32, #tpu.memory_space<vmem>>) dst(%dma_wait3A_206 : memref<8x4096xf32, #tpu.memory_space<hbm>>)
      %sub3A_207 = arith.constant 2 : i32
      %sub3A_208 = arith.subi %add3A_189, %sub3A_207 : i32
      %mul3A_209 = arith.constant 8 : i32
      %mul3A_210 = arith.muli %sub3A_208, %mul3A_209 : i32
      %get3A_211 = arith.index_cast %mul3A_210 : i32 to index
      %get3A_212 = tpu.vector_load %arg4[%get3A_211] {strides = array<i32>} : memref<272xi32, #tpu.memory_space<vmem>>, vector<16xi32>,
      tpu.vector_store_idx %arg6[%and3A_49, %get3A_212], %broadcast_in_dim3A_44 masked %lt3A_52 : memref<8x4096xf32, #tpu.memory_space<vmem>>[vector<16xi32>, vector<16xi32>], vector<16xf32>, vector<16xi1>
      %mul3A_213 = arith.constant 8 : i32
      %mul3A_214 = arith.muli %add3A_189, %mul3A_213 : i32
      %get3A_215 = arith.index_cast %mul3A_214 : i32 to index
      %get3A_216 = tpu.vector_load %arg4[%get3A_215] {strides = array<i32>} : memref<272xi32, #tpu.memory_space<vmem>>, vector<16xi32>,
      tpu.vector_store_idx %arg6[%and3A_49, %get3A_216], %broadcast_in_dim3A_46 masked %lt3A_52 : memref<8x4096xf32, #tpu.memory_space<vmem>>[vector<16xi32>, vector<16xi32>], vector<16xf32>, vector<16xi1>
      %mul3A_217 = arith.constant 8 : i32
      %mul3A_218 = arith.muli %add3A_189, %mul3A_217 : i32
      %add3A_219 = arith.addi %mul3A_32, %mul3A_218 : i32
      %dma_start3A_220 = arith.constant 0 : i32
      %dma_start3A_221 = arith.constant 0 : i32
      %dma_start3A_222 = tpu.memref_slice %arg3[%select_n3A, %dma_start3A_220, %dma_start3A_221] : memref<4x2048x4096xf32, #tpu.memory_space<hbm>> -> memref<1x2048x4096xf32, #tpu.memory_space<hbm>>
      %dma_start3A_223 = tpu.memref_squeeze %dma_start3A_222 : memref<1x2048x4096xf32, #tpu.memory_space<hbm>> -> memref<2048x4096xf32, #tpu.memory_space<hbm>>
      %dma_start3A_224 = arith.constant 0 : i32
      %dma_start3A_225 = tpu.memref_slice %dma_start3A_223[%add3A_219, %dma_start3A_224] : memref<2048x4096xf32, #tpu.memory_space<hbm>> -> memref<8x4096xf32, #tpu.memory_space<hbm>>
      %dma_start3A_226 = arith.constant 0 : i32
      %dma_start3A_227 = arith.constant 0 : i32
      %dma_start3A_228 = tpu.memref_slice %arg3[%select_n3A, %dma_start3A_226, %dma_start3A_227] : memref<4x2048x4096xf32, #tpu.memory_space<hbm>> -> memref<1x2048x4096xf32, #tpu.memory_space<hbm>>
      %dma_start3A_229 = tpu.memref_squeeze %dma_start3A_228 : memref<1x2048x4096xf32, #tpu.memory_space<hbm>> -> memref<2048x4096xf32, #tpu.memory_space<hbm>>
      %dma_start3A_230 = arith.constant 0 : i32
      %dma_start3A_231 = tpu.memref_slice %dma_start3A_229[%add3A_219, %dma_start3A_230] : memref<2048x4096xf32, #tpu.memory_space<hbm>> -> memref<8x4096xf32, #tpu.memory_space<hbm>>
      tpu.enqueue_dma source(%arg6 : memref<8x4096xf32, #tpu.memory_space<vmem>>) target(%dma_start3A_231 : memref<8x4096xf32, #tpu.memory_space<hbm>>) target_semaphore(%arg8 : memref<!tpu.dma_semaphore, #tpu.memory_space<semaphore_mem>>)
    }
    %scan3A_114 = arith.constant 15 : i32
    %dma_wait3A_115 = arith.constant 0 : i32
    %dma_wait3A_116 = arith.constant 0 : i32
    %dma_wait3A_117 = tpu.memref_slice %arg3[%select_n3A, %dma_wait3A_115, %dma_wait3A_116] : memref<4x2048x4096xf32, #tpu.memory_space<hbm>> -> memref<1x2048x4096xf32, #tpu.memory_space<hbm>>
    %dma_wait3A_118 = tpu.memref_squeeze %dma_wait3A_117 : memref<1x2048x4096xf32, #tpu.memory_space<hbm>> -> memref<2048x4096xf32, #tpu.memory_space<hbm>>
    %dma_wait3A_119 = arith.constant 0 : i32
    %dma_wait3A_120 = tpu.memref_slice %dma_wait3A_118[%add3A_74, %dma_wait3A_119] : memref<2048x4096xf32, #tpu.memory_space<hbm>> -> memref<8x4096xf32, #tpu.memory_space<hbm>>
    %dma_wait3A_121 = arith.constant 0 : i32
    %dma_wait3A_122 = arith.constant 0 : i32
    %dma_wait3A_123 = tpu.memref_slice %arg3[%select_n3A, %dma_wait3A_121, %dma_wait3A_122] : memref<4x2048x4096xf32, #tpu.memory_space<hbm>> -> memref<1x2048x4096xf32, #tpu.memory_space<hbm>>
    %dma_wait3A_124 = tpu.memref_squeeze %dma_wait3A_123 : memref<1x2048x4096xf32, #tpu.memory_space<hbm>> -> memref<2048x4096xf32, #tpu.memory_space<hbm>>
    %dma_wait3A_125 = arith.constant 0 : i32
    %dma_wait3A_126 = tpu.memref_slice %dma_wait3A_124[%add3A_74, %dma_wait3A_125] : memref<2048x4096xf32, #tpu.memory_space<hbm>> -> memref<8x4096xf32, #tpu.memory_space<hbm>>
    tpu.wait_dma2 semaphore(%arg7 : memref<!tpu.dma_semaphore, #tpu.memory_space<semaphore_mem>>) src(%arg5 : memref<8x4096xf32, #tpu.memory_space<vmem>>) dst(%dma_wait3A_126 : memref<8x4096xf32, #tpu.memory_space<hbm>>)
    %dma_wait3A_127 = arith.constant 0 : i32
    %dma_wait3A_128 = arith.constant 0 : i32
    %dma_wait3A_129 = tpu.memref_slice %arg3[%select_n3A, %dma_wait3A_127, %dma_wait3A_128] : memref<4x2048x4096xf32, #tpu.memory_space<hbm>> -> memref<1x2048x4096xf32, #tpu.memory_space<hbm>>
    %dma_wait3A_130 = tpu.memref_squeeze %dma_wait3A_129 : memref<1x2048x4096xf32, #tpu.memory_space<hbm>> -> memref<2048x4096xf32, #tpu.memory_space<hbm>>
    %dma_wait3A_131 = arith.constant 0 : i32
    %dma_wait3A_132 = tpu.memref_slice %dma_wait3A_130[%add3A_96, %dma_wait3A_131] : memref<2048x4096xf32, #tpu.memory_space<hbm>> -> memref<8x4096xf32, #tpu.memory_space<hbm>>
    %dma_wait3A_133 = arith.constant 0 : i32
    %dma_wait3A_134 = arith.constant 0 : i32
    %dma_wait3A_135 = tpu.memref_slice %arg3[%select_n3A, %dma_wait3A_133, %dma_wait3A_134] : memref<4x2048x4096xf32, #tpu.memory_space<hbm>> -> memref<1x2048x4096xf32, #tpu.memory_space<hbm>>
    %dma_wait3A_136 = tpu.memref_squeeze %dma_wait3A_135 : memref<1x2048x4096xf32, #tpu.memory_space<hbm>> -> memref<2048x4096xf32, #tpu.memory_space<hbm>>
    %dma_wait3A_137 = arith.constant 0 : i32
    %dma_wait3A_138 = tpu.memref_slice %dma_wait3A_136[%add3A_96, %dma_wait3A_137] : memref<2048x4096xf32, #tpu.memory_space<hbm>> -> memref<8x4096xf32, #tpu.memory_space<hbm>>
    tpu.wait_dma2 semaphore(%arg8 : memref<!tpu.dma_semaphore, #tpu.memory_space<semaphore_mem>>) src(%arg6 : memref<8x4096xf32, #tpu.memory_space<vmem>>) dst(%dma_wait3A_138 : memref<8x4096xf32, #tpu.memory_space<hbm>>)
    return
  }
}

</mosaic_0001>

<sc_bundles>
// kernel: kernel.3.cloned.1.call-start
scs
__scs_entry_jumppad:
0x0: {  	(pc) =	sbr.rel $0x88, $3  }
0x1: {  	(tag) =	ssettag $0x0;
	lr =	simm.s32 $0x1  }
0x2: {  	[smem:$0x3FA0] =	sst lr;
	_ =	strace $0xD0000000  }
0x3: {  	_ = 	snop  }
0x4: {  	_ = 	snop  }
0x5: {  	_ = 	snop  }
0x6: {  	_ = 	snop  }
0x7: {  	_ = 	snop  }
__scs_overlays_trampoline_lowered:
0x8: {  	[smem:$0x3FAF] =	sst s0  }
0x9: {  	[smem:$0x3FB0] =	sst s1  }
0xa: {  	[smem:$0x3FB1] =	sst s2  }
0xb: {  	[smem:$0x3FB2] =	sst s3  }
0xc: {  	[smem:$0x3FB3] =	sst s4  }
0xd: {  	[smem:$0x3FB4] =	sst s5  }
0xe: {  	[smem:$0x3FB5] =	sst s6  }
0xf: {  	[smem:$0x3FB6] =	sst s7  }
0x10: {  	[smem:$0x3FB7] =	sst s8  }
0x11: {  	[smem:$0x3FB8] =	sst s9;
	s0 =	simm.s32 @!p0 $0x0  }
0x12: {  	s1 =	sld [smem:$0x3F9E];
	s0 =	simm.s32 @p0 $0x1  }
0x13: {  	[smem:$0x3FB9] =	sst s0;
	s0 =	simm.s32 @!p1 $0x0  }
0x14: {  	s2 =	sld [smem:$0x3F9D];
	s0 =	simm.s32 @p1 $0x1  }
0x15: {  	[smem:$0x3FBA] =	sst s0;
	s0 =	simm.s32 @!p2 $0x0  }
0x16: {  	s3 =	sld [smem:$0x3FDB];
	s0 =	simm.s32 @p2 $0x1  }
0x17: {  	s4 =	simm.s32 $0x1BF5;
	[smem:$0x3FBC] =	sst s0  }
0x18: {  	s0 =	sld [smem:$0x3F9F];
	_ =	swait.ge [sflag:s4], $0x0  }
0x19: {  	s7 =	sld [smem:$0x3FA0]  }
0x1a: {  	s8 =	sadd.s32 $0xFFFFE003, lr  }
0x1b: {  	s9 =	sadd.s32 $0xFFFFFEF7, lr;
	s5 =	simm.s32 $0xFFFFFFFF;
	p2 =	slt.u32 s8, $0xFFFFF086  }
0x1c: {  	p1 =	slt.u32 s9, $0xF7A;
	s5 =	simm.s32 @!p2 $0x0  }
0x1d: {  	s5 =	simm.s32 @p1 $0x1;
	p0 =	seq.s32 s7, s2  }
0x1e: {  	s7 =	smul.u32 @!p0 $0xF7A, s2;
	p2 =	seq.s32 @!p0 s5, $0x0  }
0x1f: {  	s9 =	smul.u32 $0xF7A, s1;
	s8 =	simm.s32 @!p0 $0x1BF5;
	p2 =	por !p2, p0  }
0x20: {  	[sflag:s8] =	ssyncset.s32 @!p0 $0xFFFFF086;
	s6 =	sadd.s32 @!p0 s3, s7;
	s7 =	simm.s32 @!p0 $0x108  }
0x21: {  	s3 =	sadd.s32 s3, s9;
	s6 =	sadd.s32 @!p0 $0x88, s6;
	s7 =	simm.s32 @p2 $0x1082  }
0x22: {  	[simem:s7], [sflag:s8] =	dma.local @!p0 [hbm:s6], $0xF7A  }
0x23: {  	s9 =	sor.u32 $0xD0000000, s2;
	s6 =	simm.s32 $0x108;
	_ =	swait.ge @!p0 [sflag:s8], $0x0  }
0x24: {  	s3 =	sadd.s32 $0x88, s3;
	s6 =	simm.s32 @!p1 $0x1082;
	[sflag:s4] =	ssyncset.s32 $0xFFFFF086  }
0x25: {  	[simem:s6], [sflag:s4] =	dma.local [hbm:s3], $0xF7A  }
0x26: {  	[smem:$0x3FA0] =	sst s1;
	(tag) =	ssettag s2;
	_ =	strace s9  }
0x27: {  	s1 =	sld [smem:$0x3FB0]  }
0x28: {  	s2 =	sld [smem:$0x3FB1]  }
0x29: {  	s4 =	sld [smem:$0x3FB3]  }
0x2a: {  	p0 =	seq.s32 s5, $0x0;
	s5 =	sld [smem:$0x3FB4]  }
0x2b: {  	s6 =	sld [smem:$0x3FB5]  }
0x2c: {  	s7 =	sld [smem:$0x3FB6]  }
0x2d: {  	s3 =	simm.s32 $0x108;
	s8 =	sld [smem:$0x3FB7]  }
0x2e: {  	s3 =	simm.s32 @!p0 $0x1082;
	s9 =	sld [smem:$0x3FB8]  }
0x2f: {  	lr =	sadd.s32 s0, s3;
	s0 =	sld [smem:$0x3FAF]  }
0x30: {  	s3 =	sld [smem:$0x3FB2]  }
0x31: {  	[smem:$0x3FBB] =	sst s10  }
0x32: {  	s10 =	sld [smem:$0x3FB9];
	_ =	sdelay $0x3  }
0x33: {  	p0 =	seq.s32 s10, $0x1;
	s10 =	sld [smem:$0x3FBB];
	_ =	sdelay $0x3  }
0x34: {  	[smem:$0x3FBB] =	sst s10  }
0x35: {  	s10 =	sld [smem:$0x3FBA];
	_ =	sdelay $0x3  }
0x36: {  	p1 =	seq.s32 s10, $0x1;
	s10 =	sld [smem:$0x3FBB];
	_ =	sdelay $0x3  }
0x37: {  	[smem:$0x3FBB] =	sst s10  }
0x38: {  	s10 =	sld [smem:$0x3FBC]  }
0x39: {  	_ = 	snop;
	(pc) =	sbr.ind lr, $3  }
0x3a: {  	_ = 	snop  }
0x3b: {  	_ = 	snop  }
0x3c: {  	p2 =	seq.s32 s10, $0x1;
	s10 =	sld [smem:$0x3FBB]  }
0x3d: {  	_ =	shalt  }
0x3e: {  	_ =	shalt  }
0x3f: {  	_ =	shalt  }
0x40: {  	_ =	shalt  }
0x41: {  	_ =	shalt  }
0x42: {  	_ =	shalt  }
0x43: {  	_ =	shalt  }
0x44: {  	_ =	shalt  }
0x45: {  	_ =	shalt  }
0x46: {  	_ =	shalt  }
0x47: {  	_ =	shalt  }
0x48: {  	_ =	shalt  }
0x49: {  	_ =	shalt  }
0x4a: {  	_ =	shalt  }
0x4b: {  	_ =	shalt  }
0x4c: {  	_ =	shalt  }
0x4d: {  	_ =	shalt  }
0x4e: {  	_ =	shalt  }
0x4f: {  	_ =	shalt  }
0x50: {  	_ =	shalt  }
0x51: {  	_ =	shalt  }
0x52: {  	_ =	shalt  }
0x53: {  	_ =	shalt  }
0x54: {  	_ =	shalt  }
0x55: {  	_ =	shalt  }
0x56: {  	_ =	shalt  }
0x57: {  	_ =	shalt  }
0x58: {  	_ =	shalt  }
0x59: {  	_ =	shalt  }
0x5a: {  	_ =	shalt  }
0x5b: {  	_ =	shalt  }
0x5c: {  	_ =	shalt  }
0x5d: {  	_ =	shalt  }
0x5e: {  	_ =	shalt  }
0x5f: {  	_ =	shalt  }
0x60: {  	_ =	shalt  }
0x61: {  	_ =	shalt  }
0x62: {  	_ =	shalt  }
0x63: {  	_ =	shalt  }
0x64: {  	_ =	shalt  }
0x65: {  	_ =	shalt  }
0x66: {  	_ =	shalt  }
0x67: {  	_ =	shalt  }
0x68: {  	_ =	shalt  }
0x69: {  	_ =	shalt  }
0x6a: {  	_ =	shalt  }
0x6b: {  	_ =	shalt  }
0x6c: {  	_ =	shalt  }
0x6d: {  	_ =	shalt  }
0x6e: {  	_ =	shalt  }
0x6f: {  	_ =	shalt  }
0x70: {  	_ =	shalt  }
0x71: {  	_ =	shalt  }
0x72: {  	_ =	shalt  }
0x73: {  	_ =	shalt  }
0x74: {  	_ =	shalt  }
0x75: {  	_ =	shalt  }
0x76: {  	_ =	shalt  }
0x77: {  	_ =	shalt  }
0x78: {  	_ =	shalt  }
0x79: {  	_ =	shalt  }
0x7a: {  	_ =	shalt  }
0x7b: {  	_ =	shalt  }
0x7c: {  	_ =	shalt  }
0x7d: {  	_ =	shalt  }
0x7e: {  	_ =	shalt  }
0x7f: {  	_ =	shalt  }
0x80: {  	_ =	shalt  }
0x81: {  	_ =	shalt  }
0x82: {  	_ =	shalt  }
0x83: {  	_ =	shalt  }
0x84: {  	_ =	shalt  }
0x85: {  	_ =	shalt  }
0x86: {  	_ =	shalt  }
0x87: {  	_ =	shalt  }
.Lfunc_end0:
.L_simem_size_0:
called_computation_lowered:
.L_overlay_start_0:
0x88: {  	s2 =	sld [smem:$0x3FD9]  }
0x89: {  	s3 =	sld [smem:$0x3FFE];
	_ =	sdelay $0x1  }
0x8a: {  	s1 =	srdreg.scid  }
0x8b: {  	s0 =	sand.u32 $0x1, s1  }
0x8c: {  	s17 =	sshll.u32 s0, $0xA;
	s2 =	sadd.s32 s3, s2  }
0x8d: {  	s2 =	sadd.s32 s2, s17  }
0x8e: {  	[smem:$0x3FC7] =	sst s2  }
0x8f: {  	_ = 	snop  }
0x90: {  	s2 =	sld [smem:$0x3FD0];
	(tm) =	ssettm $0x1  }
0x91: {  	s18 =	sld [smem:$0x3FFB];
	_ =	sdelay $0x3  }
0x92: {  	_ =	strace s18  }
0x93: {  	s3 =	sld [smem:$0x3FFC];
	_ =	sdelay $0x3  }
0x94: {  	_ =	strace s3  }
0x95: {  	s3 =	sld [smem:$0x3FFD];
	_ =	sdelay $0x3  }
0x96: {  	_ =	strace s3  }
0x97: {  	_ =	strace $0x8FFFFFFF  }
0x98: {  	s19 =	sld [smem:$0x3FDB];
	_ =	sdelay $0x1  }
0x99: {  	s4 =	simm.s32 $_scs_section_size  }
0x9a: {  	s5 =	simm.s32 $_size__tile_overlayer_lowered;
	s6 =	simm.s32 $_tile_overlayer_lowered  }
0x9b: {  	s22 =	simm.s32 $0x1BFF;
	s21 =	sshll.u32 s6, $0x1;
	s3 =	sadd.s32 s4, s19  }
0x9c: {  	s7 =	simm.s32 $0x0;
	s20 =	sshll.u32 s5, $0x1;
	s5 =	sadd.s32 s21, s3  }
0x9d: {  	[timem:s7], [sflag:s22] =	dma.local [hbm:s5], s20  }
0x9e: {  	_ =	swait.ge [sflag:s22], s20  }
0x9f: {  	s4 =	ssub.s32 $0x0, s20;
	[sflag:s22] =	ssyncset.done $0x0  }
0xa0: {  	[sflag:s22] =	ssyncadd.s32 s4;
	_ =	sdelay $0x1  }
0xa1: {  	s23 =	simm.s32 $0x1B8B  }
0xa2: {  	_ =	swait.ge [sflag:s23], $0x1  }
0xa3: {  	[sflag:s23] =	ssyncset.done $0x0  }
0xa4: {  	s25 =	simm.s32 $0x1B8E;
	s24 =	sld [smem:$0x3FFE];
	[sflag:s23] =	ssyncadd.s32 $0xFFFFFFFF  }
0xa5: {  	s26 =	simm.s32 $execute0_lowered;
	[smem:$0x3FD2] =	sst s25  }
0xa6: {  	s5 =	sshll.u32 s26, $0x1;
	_ =	strace $0x80000046;
	[dreg:$0x1] =	wrdreg $0xFFFFFFFF  }
0xa7: {  	s28 =	simm.s32 $_size_execute0_lowered;
	s3 =	sadd.s32 s3, s5;
	[dreg:$0x0] =	wrdreg $0x0  }
0xa8: {  	s5 =	sshll.u32 s28, $0x1;
	[dreg:$0x2] =	wrdreg s3  }
0xa9: {  	[dreg:$0x3] =	wrdreg s5  }
0xaa: {  	[dreg:$0x4] =	wrdreg $0xC0  }
0xab: {  	_ =	task [dreg:s7], $0x5FFFF  }
0xac: {  	[dreg:$0x1] =	wrdreg $0xFFFFFFFF  }
0xad: {  	[dreg:$0x0] =	wrdreg $0x60  }
0xae: {  	[dreg:$0x2] =	wrdreg s2  }
0xaf: {  	[dreg:$0x3] =	wrdreg s24  }
0xb0: {  	[dreg:$0x4] =	wrdreg $0x9  }
0xb1: {  	_ =	task.clear_ibuf [dreg:s7], $0x5FFFF;
	_ =	strace $0x90000046  }
0xb2: {  	s29 =	simm.s32 $0x9;
	_ =	strace $0x80000048  }
0xb3: {  	_ =	swait.ge [sflag:s29], $0x1  }
0xb4: {  	[sflag:s29] =	ssyncadd.s32 $0xFFFFFFFF  }
0xb5: {  	_ =	strace $0x90000048  }
0xb6: {  	_ =	sfence  }
0xb7: {  	s30 =	sld [smem:$0x0];
	_ =	sdelay $0x2  }
0xb8: {  	s31 =	sshll.u32 s1, $0xD;
	s1 =	sshrl.u32 s1, $0x2  }
0xb9: {  	s3 =	sand.u32 $0x4000, s31;
	s1 =	sadd.s32 s1, s30  }
0xba: {  	s0 =	sor.u32 s3, s0;
	s1 =	sshll.u32 s1, $0x11  }
0xbb: {  	s0 =	sor.u32 s1, s0  }
0xbc: {  	s0 =	sadd.s32 $0x8F2B, s0  }
0xbd: {  	[sflag:s0] =	ssyncadd.remote.s32 $0x1  }
0xbe: {  	_ =	sfence.sel $0xFFFF  }
0xbf: {  	[dreg:$0x0] =	wrdreg $0xFFFFFFFF;
	(pc) =	sbr.abs _section_cstart, $3  }
0xc0: {  	[dreg:$0x1] =	wrdreg $0xFFFFFFFF  }
0xc1: {  	_ =	task.clear_ibuf [dreg:s7], $0x2FFFF;
	_ =	strace $0x9FFFFFFF  }
0xc2: {  	(tm) =	ssettm $0x7FFFFFFF  }
0xc3: {  	_ =	shalt  }
tec
execute0_lowered:
.L_overlay_start_1:
0x0: {  	(tag) =	ssettag $0x1  }
0x1: {  	s3 =	rddreg [dreg:$0x0]  }
0x2: {  	s4 =	rddreg [dreg:$0x1]  }
0x3: {  	s0 =	rddreg [dreg:$0x2]  }
0x4: {  	s2 =	simm.s32 $0x0;
	s1 =	stileid.u32;
	s6 =	srdreg.scid  }
0x5: {  	s12 =	simm.s32 $0x2;
	s13 =	simm.s32 $0x0;
	[smem:$0x7FF] =	sst s2  }
0x6: {  	s5 =	sshrl.u32 s1, $0x2;
	s6 =	sand.u32 $0x1, s6;
	s8 =	sshll.u32 s1, $0x1  }
0x7: {  	s29 =	sand.u32 $0x3, s1;
	_ =	strace $0x80000047;
	s7 =	sshll.u32 s5, $0x14  }
0x8: {  	s26 =	ssub.s32 $0x2, s6;
	s8 =	sand.u32 $0x6, s8;
	s5 =	sshll.u32 s5, $0x8  }
0x9: {  	s30 =	sshll.u32 s29, $0x12;
	s4 =	sadd.s32 s7, s4;
	s9 =	sshrl.u32 s26, $0x1  }
0xa: {  	s8 =	sor.u32 s6, s8;
	s3 =	sadd.s32 s3, s5;
	s6 =	sshll.u32 s6, $0x11  }
0xb: {  	s5 =	simm.s32 $0x3;
	s7 =	ssub.s32 s26, s9;
	s28 =	sshll.u32 s8, $0x5  }
0xc: {  	s10 =	sadd.s32 $0x400, s4;
	s8 =	sshll.u32 s8, $0x11;
	s11 =	sor.u32 s6, s30  }
0xd: {  	v1 =	vlaneseq.u32;
	s6 =	simm.s32 $0x110;
	s3 =	sadd.s32 s28, s3;
	s31 =	sor.u32 $0x1000, s8  }
0xe: {  	v0 =	vimm.f32 $2.441406290e-05;
	v2 =	vand.u32 $0x7, v1;
	s4 =	smax.u32 s7, $0x1;
	s7 =	sadd.s32 s8, s10;
	s8 =	simm.s32 $0x8110  }
0xf: {  	v3 =	vimm.f32 $9.000244140e-01;
	v1 =	vimm.s32 $0x0;
	v2 =	vmul.u32 $0x1000, v2;
	s9 =	sadd.s32 s10, s31;
	s10 =	sadd.s32 s10, s11;
	s11 =	simm.s32 $0x1  }
.LBB2_1:
0x10: {  	[tilespmem:s2], [sflag:$0x3] =	stream.linear.gather [hbm4b:s3+s2], $0x100, $0x38;
	[tilespmem:$0x10110] =	vst v63  }
0x11: {  	s14 =	sand.u32 $0x7F00, s2;
	s15 =	simm.s32 $0x100  }
.LBB2_2:
0x12: {  	p0 =	sne.s32 s15, $0x7F00;
	[tilespmem:s14+$0x200] =	vst v0  }
0x13: {  	[tilespmem:s14+$0x110] =	vst v0  }
0x14: {  	[tilespmem:s14+$0x120] =	vst v0  }
0x15: {  	[tilespmem:s14+$0x130] =	vst v0  }
0x16: {  	[tilespmem:s14+$0x140] =	vst v0  }
0x17: {  	[tilespmem:s14+$0x150] =	vst v0  }
0x18: {  	[tilespmem:s14+$0x160] =	vst v0  }
0x19: {  	[tilespmem:s14+$0x170] =	vst v0  }
0x1a: {  	[tilespmem:s14+$0x180] =	vst v0  }
0x1b: {  	[tilespmem:s14+$0x190] =	vst v0  }
0x1c: {  	[tilespmem:s14+$0x1A0] =	vst v0  }
.Ltmp0:
0x1d: {  	[tilespmem:s14+$0x1B0] =	vst v0;
	(pc) =	sbr.rel @p0 .LBB2_2-.Ltmp0, $4  }
0x1e: {  	[tilespmem:s14+$0x1C0] =	vst v0  }
0x1f: {  	[tilespmem:s14+$0x1D0] =	vst v0  }
0x20: {  	[tilespmem:s14+$0x1E0] =	vst v0  }
0x21: {  	[tilespmem:s14+$0x1F0] =	vst v0;
	s14 =	sand.u32 $0x7F00, s15;
	s15 =	sadd.s32 $0x100, s15  }
0x22: {  	[tilespmem:s14+$0x200] =	vst v0  }
0x23: {  	[tilespmem:s14+$0x110] =	vst v0  }
0x24: {  	[tilespmem:s14+$0x120] =	vst v0  }
0x25: {  	[tilespmem:s14+$0x130] =	vst v0  }
0x26: {  	[tilespmem:s14+$0x140] =	vst v0  }
0x27: {  	[tilespmem:s14+$0x150] =	vst v0  }
0x28: {  	[tilespmem:s14+$0x160] =	vst v0  }
0x29: {  	[tilespmem:s14+$0x170] =	vst v0  }
0x2a: {  	[tilespmem:s14+$0x180] =	vst v0  }
0x2b: {  	[tilespmem:s14+$0x190] =	vst v0  }
0x2c: {  	[tilespmem:s14+$0x1A0] =	vst v0  }
0x2d: {  	[tilespmem:s14+$0x1B0] =	vst v0  }
0x2e: {  	[tilespmem:s14+$0x1C0] =	vst v0  }
0x2f: {  	[tilespmem:s14+$0x1D0] =	vst v0  }
0x30: {  	[tilespmem:s14+$0x1E0] =	vst v0  }
0x31: {  	[tilespmem:s14+$0x1F0] =	vst v0  }
0x32: {  	_ =	swait.ge [sflag:s5], $0x100  }
0x33: {  	[sflag:s5] =	ssyncset.done $0x0  }
0x34: {  	[sflag:s5] =	ssyncadd.s32 $0xFFFFFF00  }
0x35: {  	v4 =	vld [tilespmem:$0x0];
	_ =	sdelay $0x4  }
0x36: {  	v4 =	vadd.s32 v2, v4;
	_ =	sdelay $0x3  }
0x37: {  	s31 =	simm.s32 $0x0;
	[tilespmem:$0x100] =	vst v1  }
0x38: {  	s15 =	simm.s32 $0x100;
	s14 =	sand.u32 $0x7F00, s31;
	[tilespmem:v4+s6+$0x0] =	vst.idx.msk $0xff, v3  }
0x39: {  	[hbm4b:s7+s31] =	stream.linear.scatter [tilespmem:s6], [sflag:$0x1], $0x8000, $0x38;
	[tilespmem:$0x10110] =	vst v63  }
.LBB2_4:
0x3a: {  	p0 =	sne.s32 s15, $0x7F00;
	[tilespmem:s14+$0x8200] =	vst v0  }
0x3b: {  	[tilespmem:s14+$0x8110] =	vst v0  }
0x3c: {  	[tilespmem:s14+$0x8120] =	vst v0  }
0x3d: {  	[tilespmem:s14+$0x8130] =	vst v0  }
0x3e: {  	[tilespmem:s14+$0x8140] =	vst v0  }
0x3f: {  	[tilespmem:s14+$0x8150] =	vst v0  }
0x40: {  	[tilespmem:s14+$0x8160] =	vst v0  }
0x41: {  	[tilespmem:s14+$0x8170] =	vst v0  }
0x42: {  	[tilespmem:s14+$0x8180] =	vst v0  }
0x43: {  	[tilespmem:s14+$0x8190] =	vst v0  }
0x44: {  	[tilespmem:s14+$0x81A0] =	vst v0  }
.Ltmp1:
0x45: {  	[tilespmem:s14+$0x81B0] =	vst v0;
	(pc) =	sbr.rel @p0 .LBB2_4-.Ltmp1, $4  }
0x46: {  	[tilespmem:s14+$0x81C0] =	vst v0  }
0x47: {  	[tilespmem:s14+$0x81D0] =	vst v0  }
0x48: {  	[tilespmem:s14+$0x81E0] =	vst v0  }
0x49: {  	[tilespmem:s14+$0x81F0] =	vst v0;
	s14 =	sand.u32 $0x7F00, s15;
	s15 =	sadd.s32 $0x100, s15  }
0x4a: {  	[tilespmem:s14+$0x8200] =	vst v0  }
0x4b: {  	[tilespmem:s14+$0x8110] =	vst v0  }
0x4c: {  	[tilespmem:s14+$0x8120] =	vst v0  }
0x4d: {  	[tilespmem:s14+$0x8130] =	vst v0  }
0x4e: {  	[tilespmem:s14+$0x8140] =	vst v0  }
0x4f: {  	[tilespmem:s14+$0x8150] =	vst v0  }
0x50: {  	[tilespmem:s14+$0x8160] =	vst v0  }
0x51: {  	[tilespmem:s14+$0x8170] =	vst v0  }
0x52: {  	[tilespmem:s14+$0x8180] =	vst v0  }
0x53: {  	[tilespmem:s14+$0x8190] =	vst v0  }
0x54: {  	[tilespmem:s14+$0x81A0] =	vst v0  }
0x55: {  	[tilespmem:s14+$0x81B0] =	vst v0  }
0x56: {  	[tilespmem:s14+$0x81C0] =	vst v0  }
0x57: {  	[tilespmem:s14+$0x81D0] =	vst v0  }
0x58: {  	[tilespmem:s14+$0x81E0] =	vst v0  }
0x59: {  	[tilespmem:s14+$0x81F0] =	vst v0  }
0x5a: {  	v4 =	vld [tilespmem:$0x8];
	_ =	sdelay $0x4  }
0x5b: {  	v4 =	vadd.s32 v2, v4;
	_ =	sdelay $0x4  }
0x5c: {  	s14 =	simm.s32 $0xFFFE2000;
	s15 =	simm.s32 $0x10;
	[tilespmem:v4+s8+$0x0] =	vst.idx.msk $0xff, v3  }
0x5d: {  	[hbm4b:s9+s2] =	stream.linear.scatter [tilespmem:s8], [sflag:$0x2], $0x8000, $0x38;
	[tilespmem:$0x10110] =	vst v63  }
.LBB2_6:
0x5e: {  	_ =	swait.ge [sflag:s11], $0x8000  }
0x5f: {  	[sflag:s11] =	ssyncset.done $0x0  }
0x60: {  	[sflag:s11] =	ssyncadd.s32 $0xFFFF8000  }
0x61: {  	v4 =	vld [tilespmem:s15+$0xFFFFFFF0];
	_ =	sdelay $0x4  }
0x62: {  	v4 =	vadd.s32 v2, v4;
	_ =	sdelay $0x4  }
0x63: {  	[tilespmem:v4+s6+$0x0] =	vst.idx.msk $0xff, v0  }
0x64: {  	v4 =	vld [tilespmem:s15+$0x0];
	_ =	sdelay $0x4  }
0x65: {  	v4 =	vadd.s32 v2, v4;
	_ =	sdelay $0x3  }
0x66: {  	s16 =	sadd.s32 s14, s10  }
0x67: {  	s17 =	sadd.s32 $0x20000, s16;
	[tilespmem:v4+s6+$0x0] =	vst.idx.msk $0xff, v3  }
0x68: {  	[hbm4b:s17+s2] =	stream.linear.scatter [tilespmem:s6], [sflag:$0x1], $0x8000, $0x38;
	[tilespmem:$0x10110] =	vst v63  }
0x69: {  	_ =	swait.ge [sflag:s12], $0x8000  }
0x6a: {  	[sflag:s12] =	ssyncset.done $0x0  }
0x6b: {  	[sflag:s12] =	ssyncadd.s32 $0xFFFF8000  }
0x6c: {  	v4 =	vld [tilespmem:s15+$0xFFFFFFF8];
	_ =	sdelay $0x4  }
0x6d: {  	v4 =	vadd.s32 v2, v4;
	_ =	sdelay $0x4  }
0x6e: {  	[tilespmem:v4+s8+$0x0] =	vst.idx.msk $0xff, v0  }
0x6f: {  	v4 =	vld [tilespmem:s15+$0x8];
	_ =	sdelay $0x4  }
0x70: {  	v4 =	vadd.s32 v2, v4  }
0x71: {  	p0 =	sne.s32 s14, $0xFFFFE000  }
.Ltmp2:
0x72: {  	_ = 	snop;
	(pc) =	sbr.rel @p0 .LBB2_6-.Ltmp2, $3  }
0x73: {  	_ =	sdelay $0x1  }
0x74: {  	s14 =	sadd.s32 $0x2000, s14;
	s16 =	sadd.s32 $0x21000, s16;
	s15 =	sadd.s32 $0x10, s15;
	[tilespmem:v4+s8+$0x0] =	vst.idx.msk $0xff, v3  }
0x75: {  	[hbm4b:s16+s2] =	stream.linear.scatter [tilespmem:s8], [sflag:$0x2], $0x8000, $0x38;
	[tilespmem:$0x10110] =	vst v63  }
0x76: {  	s13 =	sadd.s32 $0x1, s13  }
0x77: {  	_ =	swait.ge [sflag:s11], $0x8000;
	p0 =	sne.s32 s13, s4  }
.Ltmp3:
0x78: {  	[sflag:s11] =	ssyncset.done $0x0;
	(pc) =	sbr.rel @p0 .LBB2_1-.Ltmp3, $4  }
0x79: {  	[sflag:s11] =	ssyncadd.s32 $0xFFFF8000  }
0x7a: {  	_ =	swait.ge [sflag:s12], $0x8000  }
0x7b: {  	[sflag:s12] =	ssyncset.done $0x0  }
0x7c: {  	[sflag:s12] =	ssyncadd.s32 $0xFFFF8000  }
0x7d: {  	_ =	sfence.sel $0x180000  }
0x7e: {  	[bflag:$0x0] =	sbarrier.arrive $0xFFFF  }
0x7f: {  	p0 =	sne.s32 s1, $0x0;
	_ =	strace $0x90000047  }
0x80: {  	s0 =	sadd.s32 @!p0 $0x100000, s0;
	[bflag:$0x2] =	sbarrier.arrive $0xFFFF  }
0x81: {  	[sflag:s0] =	ssyncadd.tile.s32 @!p0 $0x1;
	_ =	shalt  }
.Lfunc_end2:
_tile_overlayer_lowered:
.L_overlay_start_2:
0x82: {  	(tag) =	ssettag $0x2  }
0x83: {  	s0 =	rddreg [dreg:$0x0];
	s2 =	stileid.u32  }
0x84: {  	s1 =	rddreg [dreg:$0x1];
	p0 =	sne.s32 s2, $0x0  }
0x85: {  	s3 =	rddreg [dreg:$0x2];
	[bflag:$0x3] =	sbarrier.arrive $0xFFFF;
	s2 =	simm.s32 @!p0 $0x1C04  }
0x86: {  	[timem:s3], [sflag:s2] =	dma.local @!p0 [hbm:s0], s1  }
0x87: {  	s0 =	simm.s32 @!p0 $0x4  }
0x88: {  	_ =	swait.ge @!p0 [sflag:s0], s1  }
0x89: {  	s1 =	ssub.s32 @!p0 $0x0, s1;
	[sflag:s0] =	ssyncset.done @!p0 $0x0  }
0x8a: {  	[sflag:s0] =	ssyncadd.s32 @!p0 s1  }
0x8b: {  	[bflag:$0x3] =	sbarrier.arrive $0xFFFF  }
0x8c: {  	_ =	shalt  }

</sc_bundles>
